<compile_context>
chip_gen: v7x
topology: tpu7x:2x2x1
jax: 0.10.2.dev20260603
libtpu: 0.0.44.dev20260713+nightly
codegen_flags: <defaults>
</compile_context>

<pallas_src>
import jax
import jax.numpy as jnp
from jax import lax
from jax.experimental import pallas as pl
from jax.experimental.pallas import tpu as pltpu
from jax.experimental.pallas import tpu_sc as plsc

_B, _Y, _X = 16, 4096, 512
_NEG = -10000
_L = 16
_UNROLL = 8


def _sc_hist(dur_hbm, olen_hbm, ilen_hbm, d_hbm,
             dbuf, sbuf, cbuf, obuf, lbuf, ibuf, sem, sem2):
    w = lax.axis_index("s")

    @pl.when(w < _B)
    def _():
        row = w
        in_cp1 = pltpu.async_copy(
            dur_hbm.at[row, pl.ds(0, _Y // 2)], dbuf.at[pl.ds(0, _Y // 2)],
            sem)
        in_cp2 = pltpu.async_copy(
            dur_hbm.at[row, pl.ds(_Y // 2, _Y // 2)],
            dbuf.at[pl.ds(_Y // 2, _Y // 2)], sem2)
        pltpu.sync_copy(olen_hbm, lbuf)
        pltpu.sync_copy(ilen_hbm, ibuf)

        lane = lax.iota(jnp.int32, _L)
        out_len = jnp.max(jnp.where(lane == row, lbuf[...], 0))
        max_in = jnp.max(ibuf[...])

        zeros = jnp.zeros((_L,), jnp.int32)

        def zero_s(j, carry):
            sbuf[pl.ds(j * _L, _L)] = zeros
            return carry

        lax.fori_loop(0, _X // _L, zero_s, 0)
        cbuf[pl.ds(0, _L)] = zeros

        lanep1 = lane + 1

        def step(base, is_final):
            val = dbuf[pl.ds(base, _L)]
            nxt = dbuf[pl.ds(base + 1, _L)]
            is_last = val != nxt
            if is_final:
                is_last = is_last | (lane == _L - 1)
            m1 = jnp.minimum(base + lanep1, out_len)
            plsc.store_scatter(sbuf, [val], m1, mask=is_last)

        in_cp1.wait()

        @plsc.parallel_loop(0, _Y // (2 * _L) - 1, unroll=_UNROLL)
        def _(i):
            step(i * _L, False)

        in_cp2.wait()

        @plsc.parallel_loop(_Y // (2 * _L) - 1, _Y // _L - 1,
                            unroll=_UNROLL)
        def _(i):
            step(i * _L, False)

        step(_Y - _L, True)

        def diff_o(j, run):
            base = j * _L
            s = sbuf[pl.ds(base, _L)]
            c = jnp.maximum(plsc.cummax(s), run)
            cbuf[pl.ds(base + _L, _L)] = c
            excl = plsc.load_gather(cbuf, [base + _L - 1 + lane])
            d = jnp.maximum(s - excl, 0)
            obuf[pl.ds(base, _L)] = jnp.where(base + lane < max_in, d, 0)
            return plsc.load_gather(cbuf, [zeros + (base + 2 * _L - 1)])

        lax.fori_loop(0, _X // _L, diff_o, zeros)

        pltpu.sync_copy(obuf, d_hbm.at[row])


def _tc_weights(dur_ref, olen_ref, out_ref):
    pos = lax.broadcasted_iota(jnp.int32, (_B, _Y), 1)
    mask = pos < olen_ref[...]
    dur = dur_ref[...]
    out_ref[...] = jnp.where(mask, dur, dur + _NEG)


@jax.jit
def kernel(duration, output_length, input_length):
    mesh = plsc.VectorSubcoreMesh(
        core_axis_name="c", subcore_axis_name="s", num_cores=1)
    hist = pl.kernel(
        _sc_hist,
        out_type=jax.ShapeDtypeStruct((_B, _X), jnp.int32),
        mesh=mesh,
        compiler_params=pltpu.CompilerParams(needs_layout_passes=False),
        scratch_types=[
            pltpu.VMEM((_Y + _L,), jnp.int32),
            pltpu.VMEM((_X,), jnp.int32),
            pltpu.VMEM((_X + _L,), jnp.int32),
            pltpu.VMEM((_X,), jnp.int32),
            pltpu.VMEM((_L,), jnp.int32),
            pltpu.VMEM((_L,), jnp.int32),
            pltpu.SemaphoreType.DMA,
            pltpu.SemaphoreType.DMA,
        ],
    )
    durations = hist(duration, output_length, input_length)

    weights = pl.pallas_call(
        _tc_weights,
        out_shape=jax.ShapeDtypeStruct((_B, _Y), jnp.int32),
    )(duration, output_length.reshape(_B, 1))

    return (weights, durations)

# --- scband reference (transcript-rebuilt; emitter-appended) ---
"""Pipeline reference for scband-duration-calculator-26594437497064 (READ-ONLY COPY).

The authoritative reference and input builder live on the scoring server;
editing this copy changes nothing except your own understanding.
"""

import jax, jax.numpy as jnp
import numpy as np


def setup_inputs(seed: int = 0) -> dict:
    key = jax.random.key(seed)
    k1, k2, k3 = jax.random.split(key, 3)
    B, Y, X = 16, 4096, 512
    # monotonic alignment indices: sorted per row, values in [0, X)
    duration = jnp.sort(jax.random.randint(k1, (B, Y), 0, X, dtype=jnp.int32), axis=-1)
    output_length = jax.random.randint(k2, (B,), 1, Y + 1, dtype=jnp.int32).at[0].set(Y)
    input_length = jax.random.randint(k3, (B,), 1, X + 1, dtype=jnp.int32).at[0].set(X)
    return {"duration": duration, "output_length": output_length, "input_length": input_length}


def reference(duration, output_length, input_length):
    # teacher_type is None -> weights_argmax = samples['duration'] (nonempty here)
    y_steps = duration.shape[1]
    x_steps = 512
    batch = duration.shape[0]
    weights_argmax = duration[:, :y_steps]
    # tf.sequence_mask(output_length, y_steps): True where position < length
    seq_mask = jnp.arange(y_steps)[None, :] < output_length[:, None]
    output_mask = jnp.logical_not(seq_mask).astype(jnp.int32) * (-10000)
    weights_argmax = weights_argmax + output_mask
    # count_duration mapped over indexes = tf.range(x_steps), then transpose -> [batch, x_steps]
    indexes = jnp.arange(x_steps)
    index_valid = (indexes < jnp.max(input_length)).astype(jnp.int32)
    eq = (weights_argmax[:, :, None] == indexes[None, None, :]).astype(jnp.int32) * index_valid[None, None, :]
    durations = jnp.sum(eq, axis=1)  # [batch, x_steps]
    teacher_outs = None
    return (weights_argmax, durations)

if __name__ == "__main__":
    import jax
    _d = setup_inputs()
    print(jax.jit(kernel)(*tuple(_d.values())))

</pallas_src>

<mosaic_0001>
#map = affine_map<(d0, d1) -> (0, 0)>
#map1 = affine_map<(d0, d1) -> (0)>
module attributes {stable_mosaic.version = 14 : i64} {
  func.func @_sc_hist(%arg0: i32, %arg1: i32, %arg2: memref<16x4096xi32, #tpu.memory_space<hbm>>, %arg3: memref<16xi32, #tpu.memory_space<hbm>>, %arg4: memref<16xi32, #tpu.memory_space<hbm>>, %arg5: memref<16x512xi32, #tpu.memory_space<hbm>>, %arg6: memref<4112xi32, #tpu.memory_space<vmem>>, %arg7: memref<512xi32, #tpu.memory_space<vmem>>, %arg8: memref<528xi32, #tpu.memory_space<vmem>>, %arg9: memref<512xi32, #tpu.memory_space<vmem>>, %arg10: memref<16xi32, #tpu.memory_space<vmem>>, %arg11: memref<16xi32, #tpu.memory_space<vmem>>, %arg12: memref<!tpu.dma_semaphore, #tpu.memory_space<semaphore_mem>>, %arg13: memref<!tpu.dma_semaphore, #tpu.memory_space<semaphore_mem>>) attributes {dimension_semantics = [#tpu.dimension_semantics<core_parallel>, #tpu.dimension_semantics<subcore_parallel>], iteration_bounds = array<i64: 1, 16>, scalar_prefetch = 0 : i64, scratch_operands = 8 : i64, tpu.core_type = #tpu.core_type<sc_vector_subcore>, window_params = [{transform_indices = #map}, {transform_indices = #map1}, {transform_indices = #map1}, {transform_indices = #map}]} {
    %lt3A = arith.constant 16 : i32
    %lt3A_0 = arith.cmpi slt, %arg1, %lt3A : i32
    %convert_element_type3A = arith.extui %lt3A_0 : i1 to i32
    %cond3A = arith.constant 0 : i32
    %cond3A_1 = arith.cmpi ne, %convert_element_type3A, %cond3A : i32
    scf.if %cond3A_1 {
      %dma_start3A = arith.constant 0 : i32
      %dma_start3A_2 = tpu.memref_slice %arg6[%dma_start3A] : memref<4112xi32, #tpu.memory_space<vmem>> -> memref<2048xi32, #tpu.memory_space<vmem>>
      %dma_start3A_3 = arith.constant 0 : i32
      %dma_start3A_4 = tpu.memref_slice %arg2[%arg1, %dma_start3A_3] : memref<16x4096xi32, #tpu.memory_space<hbm>> -> memref<1x2048xi32, #tpu.memory_space<hbm>>
      %dma_start3A_5 = tpu.memref_squeeze %dma_start3A_4 : memref<1x2048xi32, #tpu.memory_space<hbm>> -> memref<2048xi32, #tpu.memory_space<hbm>>
      %dma_start3A_6 = arith.constant 0 : i32
      %dma_start3A_7 = tpu.memref_slice %arg6[%dma_start3A_6] : memref<4112xi32, #tpu.memory_space<vmem>> -> memref<2048xi32, #tpu.memory_space<vmem>>
      %dma_start3A_8 = arith.constant 0 : i32
      %dma_start3A_9 = tpu.memref_slice %arg2[%arg1, %dma_start3A_8] : memref<16x4096xi32, #tpu.memory_space<hbm>> -> memref<1x2048xi32, #tpu.memory_space<hbm>>
      %dma_start3A_10 = tpu.memref_squeeze %dma_start3A_9 : memref<1x2048xi32, #tpu.memory_space<hbm>> -> memref<2048xi32, #tpu.memory_space<hbm>>
      tpu.enqueue_dma source(%dma_start3A_10 : memref<2048xi32, #tpu.memory_space<hbm>>) target(%dma_start3A_7 : memref<2048xi32, #tpu.memory_space<vmem>>) target_semaphore(%arg12 : memref<!tpu.dma_semaphore, #tpu.memory_space<semaphore_mem>>)
      %dma_start3A_11 = arith.constant 2048 : i32
      %dma_start3A_12 = tpu.memref_slice %arg6[%dma_start3A_11] : memref<4112xi32, #tpu.memory_space<vmem>> -> memref<2048xi32, #tpu.memory_space<vmem>>
      %dma_start3A_13 = arith.constant 2048 : i32
      %dma_start3A_14 = tpu.memref_slice %arg2[%arg1, %dma_start3A_13] : memref<16x4096xi32, #tpu.memory_space<hbm>> -> memref<1x2048xi32, #tpu.memory_space<hbm>>
      %dma_start3A_15 = tpu.memref_squeeze %dma_start3A_14 : memref<1x2048xi32, #tpu.memory_space<hbm>> -> memref<2048xi32, #tpu.memory_space<hbm>>
      %dma_start3A_16 = arith.constant 2048 : i32
      %dma_start3A_17 = tpu.memref_slice %arg6[%dma_start3A_16] : memref<4112xi32, #tpu.memory_space<vmem>> -> memref<2048xi32, #tpu.memory_space<vmem>>
      %dma_start3A_18 = arith.constant 2048 : i32
      %dma_start3A_19 = tpu.memref_slice %arg2[%arg1, %dma_start3A_18] : memref<16x4096xi32, #tpu.memory_space<hbm>> -> memref<1x2048xi32, #tpu.memory_space<hbm>>
      %dma_start3A_20 = tpu.memref_squeeze %dma_start3A_19 : memref<1x2048xi32, #tpu.memory_space<hbm>> -> memref<2048xi32, #tpu.memory_space<hbm>>
      tpu.enqueue_dma source(%dma_start3A_20 : memref<2048xi32, #tpu.memory_space<hbm>>) target(%dma_start3A_17 : memref<2048xi32, #tpu.memory_space<vmem>>) target_semaphore(%arg13 : memref<!tpu.dma_semaphore, #tpu.memory_space<semaphore_mem>>)
      "tpu.region"() ({
        %run_scoped3A = tpu.sem_alloc : memref<!tpu.dma_semaphore, #tpu.memory_space<semaphore_mem>>
        tpu.enqueue_dma source(%arg3 : memref<16xi32, #tpu.memory_space<hbm>>) target(%arg10 : memref<16xi32, #tpu.memory_space<vmem>>) target_semaphore(%run_scoped3A : memref<!tpu.dma_semaphore, #tpu.memory_space<semaphore_mem>>)
        tpu.wait_dma2 semaphore(%run_scoped3A : memref<!tpu.dma_semaphore, #tpu.memory_space<semaphore_mem>>) src(%arg3 : memref<16xi32, #tpu.memory_space<hbm>>) dst(%arg10 : memref<16xi32, #tpu.memory_space<vmem>>)
        tpu.yield
      }) : () -> ()
      "tpu.region"() ({
        %run_scoped3A = tpu.sem_alloc : memref<!tpu.dma_semaphore, #tpu.memory_space<semaphore_mem>>
        tpu.enqueue_dma source(%arg4 : memref<16xi32, #tpu.memory_space<hbm>>) target(%arg11 : memref<16xi32, #tpu.memory_space<vmem>>) target_semaphore(%run_scoped3A : memref<!tpu.dma_semaphore, #tpu.memory_space<semaphore_mem>>)
        tpu.wait_dma2 semaphore(%run_scoped3A : memref<!tpu.dma_semaphore, #tpu.memory_space<semaphore_mem>>) src(%arg4 : memref<16xi32, #tpu.memory_space<hbm>>) dst(%arg11 : memref<16xi32, #tpu.memory_space<vmem>>)
        tpu.yield
      }) : () -> ()
      %iota3A = tpu.iota {dimensions = array<i32: 0>} : vector<16xi32>
      %eq3A = vector.broadcast %arg1 : i32 to vector<16xi32>
      %eq3A_21 = arith.cmpi eq, %iota3A, %eq3A : vector<16xi32>
      %get3A = arith.constant 0 : index
      %get3A_22 = tpu.vector_load %arg10[%get3A] {strides = array<i32>} : memref<16xi32, #tpu.memory_space<vmem>>, vector<16xi32>,
      %jit3A = arith.constant 0 : i32
      %broadcast_in_dim3A = vector.broadcast %jit3A : i32 to vector<16xi32>
      %select_n3A = arith.select %eq3A_21, %get3A_22, %broadcast_in_dim3A : vector<16xi1>, vector<16xi32>
      %reduce_max3A = arith.constant true
      %reduce_max3A_23 = vector.broadcast %reduce_max3A : i1 to vector<16xi1>
      %reduce_max3A_24 = arith.constant -2147483648 : i32
      %reduce_max3A_25 = vector.broadcast %reduce_max3A_24 : i32 to vector<16xi32>
      %reduce_max3A_26 = arith.xori %select_n3A, %reduce_max3A_25 : vector<16xi32>
      %reduce_max3A_27 = tpu.scan <max>, %reduce_max3A_26 masked %reduce_max3A_23 : vector<16xi32>, vector<16xi1> -> vector<16xi32>
      %reduce_max3A_28 = arith.xori %reduce_max3A_27, %reduce_max3A_25 : vector<16xi32>
      %reduce_max3A_29 = vector.extract %reduce_max3A_28[15] : i32 from vector<16xi32>
      %get3A_30 = arith.constant 0 : index
      %get3A_31 = tpu.vector_load %arg11[%get3A_30] {strides = array<i32>} : memref<16xi32, #tpu.memory_space<vmem>>, vector<16xi32>,
      %reduce_max3A_32 = arith.constant true
      %reduce_max3A_33 = vector.broadcast %reduce_max3A_32 : i1 to vector<16xi1>
      %reduce_max3A_34 = arith.constant -2147483648 : i32
      %reduce_max3A_35 = vector.broadcast %reduce_max3A_34 : i32 to vector<16xi32>
      %reduce_max3A_36 = arith.xori %get3A_31, %reduce_max3A_35 : vector<16xi32>
      %reduce_max3A_37 = tpu.scan <max>, %reduce_max3A_36 masked %reduce_max3A_33 : vector<16xi32>, vector<16xi1> -> vector<16xi32>
      %reduce_max3A_38 = arith.xori %reduce_max3A_37, %reduce_max3A_35 : vector<16xi32>
      %reduce_max3A_39 = vector.extract %reduce_max3A_38[15] : i32 from vector<16xi32>
      %broadcast_in_dim3A_40 = arith.constant 0 : i32
      %broadcast_in_dim3A_41 = vector.broadcast %broadcast_in_dim3A_40 : i32 to vector<16xi32>
      %scan3A = arith.constant 0 : i32
      %scan3A_42 = arith.constant 0 : i32
      %scan3A_43 = arith.constant 32 : i32
      %scan3A_44 = arith.addi %scan3A_42, %scan3A_43 : i32
      %scan3A_45 = arith.constant 1 : i32
      scf.for %scan3A_91 = %scan3A_42 to %scan3A_44 step %scan3A_45  : i32 {
        %mul3A = arith.constant 16 : i32
        %mul3A_92 = arith.muli %scan3A_91, %mul3A : i32
        %swap3A_93 = arith.index_cast %mul3A_92 : i32 to index
        %swap3A_94 = tpu.vector_load %arg7[%swap3A_93] {strides = array<i32>} : memref<512xi32, #tpu.memory_space<vmem>>, vector<16xi32>,
        tpu.vector_store %arg7[%swap3A_93], %broadcast_in_dim3A_41 {strides = array<i32>} : memref<512xi32, #tpu.memory_space<vmem>>, vector<16xi32>,
      }
      %scan3A_46 = arith.constant 32 : i32
      %swap3A = arith.constant 0 : index
      %swap3A_47 = tpu.vector_load %arg8[%swap3A] {strides = array<i32>} : memref<528xi32, #tpu.memory_space<vmem>>, vector<16xi32>,
      tpu.vector_store %arg8[%swap3A], %broadcast_in_dim3A_41 {strides = array<i32>} : memref<528xi32, #tpu.memory_space<vmem>>, vector<16xi32>,
      %add3A = arith.constant 1 : i32
      %add3A_48 = vector.broadcast %add3A : i32 to vector<16xi32>
      %add3A_49 = arith.addi %iota3A, %add3A_48 : vector<16xi32>
      %dma_wait3A = arith.constant 0 : i32
      %dma_wait3A_50 = tpu.memref_slice %arg6[%dma_wait3A] : memref<4112xi32, #tpu.memory_space<vmem>> -> memref<2048xi32, #tpu.memory_space<vmem>>
      %dma_wait3A_51 = arith.constant 0 : i32
      %dma_wait3A_52 = tpu.memref_slice %arg2[%arg1, %dma_wait3A_51] : memref<16x4096xi32, #tpu.memory_space<hbm>> -> memref<1x2048xi32, #tpu.memory_space<hbm>>
      %dma_wait3A_53 = tpu.memref_squeeze %dma_wait3A_52 : memref<1x2048xi32, #tpu.memory_space<hbm>> -> memref<2048xi32, #tpu.memory_space<hbm>>
      %dma_wait3A_54 = arith.constant 0 : i32
      %dma_wait3A_55 = tpu.memref_slice %arg6[%dma_wait3A_54] : memref<4112xi32, #tpu.memory_space<vmem>> -> memref<2048xi32, #tpu.memory_space<vmem>>
      %dma_wait3A_56 = arith.constant 0 : i32
      %dma_wait3A_57 = tpu.memref_slice %arg2[%arg1, %dma_wait3A_56] : memref<16x4096xi32, #tpu.memory_space<hbm>> -> memref<1x2048xi32, #tpu.memory_space<hbm>>
      %dma_wait3A_58 = tpu.memref_squeeze %dma_wait3A_57 : memref<1x2048xi32, #tpu.memory_space<hbm>> -> memref<2048xi32, #tpu.memory_space<hbm>>
      tpu.wait_dma2 semaphore(%arg12 : memref<!tpu.dma_semaphore, #tpu.memory_space<semaphore_mem>>) src(%dma_wait3A_58 : memref<2048xi32, #tpu.memory_space<hbm>>) dst(%dma_wait3A_55 : memref<2048xi32, #tpu.memory_space<vmem>>)
      %parallel_loop3A = arith.constant 0 : i32
      %parallel_loop3A_59 = arith.constant 127 : i32
      %parallel_loop3A_60 = arith.constant 1 : i32
      scf.for %parallel_loop3A_91 = %parallel_loop3A to %parallel_loop3A_59 step %parallel_loop3A_60  : i32 {
        %parallel_loop3A_92 = arith.constant 16 : i32
        %parallel_loop3A_93 = arith.muli %parallel_loop3A_91, %parallel_loop3A_92 : i32
        %parallel_loop3A_94 = arith.index_cast %parallel_loop3A_93 : i32 to index
        %parallel_loop3A_95 = tpu.vector_load %arg6[%parallel_loop3A_94] {strides = array<i32>} : memref<4112xi32, #tpu.memory_space<vmem>>, vector<16xi32>,
        %parallel_loop3A_96 = arith.constant 1 : i32
        %parallel_loop3A_97 = arith.addi %parallel_loop3A_93, %parallel_loop3A_96 : i32
        %parallel_loop3A_98 = arith.index_cast %parallel_loop3A_97 : i32 to index
        %parallel_loop3A_99 = tpu.vector_load %arg6[%parallel_loop3A_98] {strides = array<i32>} : memref<4112xi32, #tpu.memory_space<vmem>>, vector<16xi32>,
        %parallel_loop3A_100 = arith.cmpi ne, %parallel_loop3A_95, %parallel_loop3A_99 : vector<16xi32>
        %parallel_loop3A_101 = vector.broadcast %parallel_loop3A_93 : i32 to vector<16xi32>
        %parallel_loop3A_102 = arith.addi %parallel_loop3A_101, %add3A_49 : vector<16xi32>
        %parallel_loop3A_103 = vector.broadcast %reduce_max3A_29 : i32 to vector<16xi32>
        %parallel_loop3A_104 = arith.minsi %parallel_loop3A_102, %parallel_loop3A_103 : vector<16xi32>
        tpu.vector_store_idx %arg7[%parallel_loop3A_95], %parallel_loop3A_104 masked %parallel_loop3A_100 : memref<512xi32, #tpu.memory_space<vmem>>[vector<16xi32>], vector<16xi32>, vector<16xi1>
      } {sc.loop_unroll_factor = 8 : i64, sc.parallel_access}
      %dma_wait3A_61 = arith.constant 2048 : i32
      %dma_wait3A_62 = tpu.memref_slice %arg6[%dma_wait3A_61] : memref<4112xi32, #tpu.memory_space<vmem>> -> memref<2048xi32, #tpu.memory_space<vmem>>
      %dma_wait3A_63 = arith.constant 2048 : i32
      %dma_wait3A_64 = tpu.memref_slice %arg2[%arg1, %dma_wait3A_63] : memref<16x4096xi32, #tpu.memory_space<hbm>> -> memref<1x2048xi32, #tpu.memory_space<hbm>>
      %dma_wait3A_65 = tpu.memref_squeeze %dma_wait3A_64 : memref<1x2048xi32, #tpu.memory_space<hbm>> -> memref<2048xi32, #tpu.memory_space<hbm>>
      %dma_wait3A_66 = arith.constant 2048 : i32
      %dma_wait3A_67 = tpu.memref_slice %arg6[%dma_wait3A_66] : memref<4112xi32, #tpu.memory_space<vmem>> -> memref<2048xi32, #tpu.memory_space<vmem>>
      %dma_wait3A_68 = arith.constant 2048 : i32
      %dma_wait3A_69 = tpu.memref_slice %arg2[%arg1, %dma_wait3A_68] : memref<16x4096xi32, #tpu.memory_space<hbm>> -> memref<1x2048xi32, #tpu.memory_space<hbm>>
      %dma_wait3A_70 = tpu.memref_squeeze %dma_wait3A_69 : memref<1x2048xi32, #tpu.memory_space<hbm>> -> memref<2048xi32, #tpu.memory_space<hbm>>
      tpu.wait_dma2 semaphore(%arg13 : memref<!tpu.dma_semaphore, #tpu.memory_space<semaphore_mem>>) src(%dma_wait3A_70 : memref<2048xi32, #tpu.memory_space<hbm>>) dst(%dma_wait3A_67 : memref<2048xi32, #tpu.memory_space<vmem>>)
      %parallel_loop3A_71 = arith.constant 127 : i32
      %parallel_loop3A_72 = arith.constant 255 : i32
      %parallel_loop3A_73 = arith.constant 1 : i32
      scf.for %parallel_loop3A_91 = %parallel_loop3A_71 to %parallel_loop3A_72 step %parallel_loop3A_73  : i32 {
        %parallel_loop3A_92 = arith.constant 16 : i32
        %parallel_loop3A_93 = arith.muli %parallel_loop3A_91, %parallel_loop3A_92 : i32
        %parallel_loop3A_94 = arith.index_cast %parallel_loop3A_93 : i32 to index
        %parallel_loop3A_95 = tpu.vector_load %arg6[%parallel_loop3A_94] {strides = array<i32>} : memref<4112xi32, #tpu.memory_space<vmem>>, vector<16xi32>,
        %parallel_loop3A_96 = arith.constant 1 : i32
        %parallel_loop3A_97 = arith.addi %parallel_loop3A_93, %parallel_loop3A_96 : i32
        %parallel_loop3A_98 = arith.index_cast %parallel_loop3A_97 : i32 to index
        %parallel_loop3A_99 = tpu.vector_load %arg6[%parallel_loop3A_98] {strides = array<i32>} : memref<4112xi32, #tpu.memory_space<vmem>>, vector<16xi32>,
        %parallel_loop3A_100 = arith.cmpi ne, %parallel_loop3A_95, %parallel_loop3A_99 : vector<16xi32>
        %parallel_loop3A_101 = vector.broadcast %parallel_loop3A_93 : i32 to vector<16xi32>
        %parallel_loop3A_102 = arith.addi %parallel_loop3A_101, %add3A_49 : vector<16xi32>
        %parallel_loop3A_103 = vector.broadcast %reduce_max3A_29 : i32 to vector<16xi32>
        %parallel_loop3A_104 = arith.minsi %parallel_loop3A_102, %parallel_loop3A_103 : vector<16xi32>
        tpu.vector_store_idx %arg7[%parallel_loop3A_95], %parallel_loop3A_104 masked %parallel_loop3A_100 : memref<512xi32, #tpu.memory_space<vmem>>[vector<16xi32>], vector<16xi32>, vector<16xi1>
      } {sc.loop_unroll_factor = 8 : i64, sc.parallel_access}
      %get3A_74 = arith.constant 4080 : index
      %get3A_75 = tpu.vector_load %arg6[%get3A_74] {strides = array<i32>} : memref<4112xi32, #tpu.memory_space<vmem>>, vector<16xi32>,
      %get3A_76 = arith.constant 4081 : index
      %get3A_77 = tpu.vector_load %arg6[%get3A_76] {strides = array<i32>} : memref<4112xi32, #tpu.memory_space<vmem>>, vector<16xi32>,
      %ne3A = arith.cmpi ne, %get3A_75, %get3A_77 : vector<16xi32>
      %eq3A_78 = arith.constant 15 : i32
      %eq3A_79 = vector.broadcast %eq3A_78 : i32 to vector<16xi32>
      %eq3A_80 = arith.cmpi eq, %iota3A, %eq3A_79 : vector<16xi32>
      %or3A = arith.ori %ne3A, %eq3A_80 : vector<16xi1>
      %add3A_81 = arith.constant 4080 : i32
      %add3A_82 = vector.broadcast %add3A_81 : i32 to vector<16xi32>
      %add3A_83 = arith.addi %add3A_82, %add3A_49 : vector<16xi32>
      %min3A = vector.broadcast %reduce_max3A_29 : i32 to vector<16xi32>
      %min3A_84 = arith.minsi %add3A_83, %min3A : vector<16xi32>
      tpu.vector_store_idx %arg7[%get3A_75], %min3A_84 masked %or3A : memref<512xi32, #tpu.memory_space<vmem>>[vector<16xi32>], vector<16xi32>, vector<16xi1>
      %scan3A_85 = arith.constant 0 : i32
      %scan3A_86 = arith.constant 32 : i32
      %scan3A_87 = arith.addi %scan3A_85, %scan3A_86 : i32
      %scan3A_88 = arith.constant 1 : i32
      %scan3A_89 = scf.for %scan3A_91 = %scan3A_85 to %scan3A_87 step %scan3A_88 iter_args(%scan3A_92 = %broadcast_in_dim3A_41) -> (vector<16xi32>)  : i32 {
        %mul3A = arith.constant 16 : i32
        %mul3A_93 = arith.muli %scan3A_91, %mul3A : i32
        %get3A_94 = arith.index_cast %mul3A_93 : i32 to index
        %get3A_95 = tpu.vector_load %arg7[%get3A_94] {strides = array<i32>} : memref<512xi32, #tpu.memory_space<vmem>>, vector<16xi32>,
        %broadcast_in_dim3A_96 = arith.constant true
        %broadcast_in_dim3A_97 = vector.broadcast %broadcast_in_dim3A_96 : i1 to vector<16xi1>
        %masked_cummax3A = arith.constant -2147483648 : i32
        %masked_cummax3A_98 = vector.broadcast %masked_cummax3A : i32 to vector<16xi32>
        %masked_cummax3A_99 = arith.xori %get3A_95, %masked_cummax3A_98 : vector<16xi32>
        %masked_cummax3A_100 = tpu.scan <max>, %masked_cummax3A_99 masked %broadcast_in_dim3A_97 : vector<16xi32>, vector<16xi1> -> vector<16xi32>
        %masked_cummax3A_101 = arith.xori %masked_cummax3A_100, %masked_cummax3A_98 : vector<16xi32>
        %max3A = arith.maxsi %masked_cummax3A_101, %scan3A_92 : vector<16xi32>
        %add3A_102 = arith.constant 16 : i32
        %add3A_103 = arith.addi %mul3A_93, %add3A_102 : i32
        %swap3A_104 = arith.index_cast %add3A_103 : i32 to index
        %swap3A_105 = tpu.vector_load %arg8[%swap3A_104] {strides = array<i32>} : memref<528xi32, #tpu.memory_space<vmem>>, vector<16xi32>,
        tpu.vector_store %arg8[%swap3A_104], %max3A {strides = array<i32>} : memref<528xi32, #tpu.memory_space<vmem>>, vector<16xi32>,
        %add3A_106 = arith.constant 16 : i32
        %add3A_107 = arith.addi %mul3A_93, %add3A_106 : i32
        %sub3A = arith.constant 1 : i32
        %sub3A_108 = arith.subi %add3A_107, %sub3A : i32
        %add3A_109 = vector.broadcast %sub3A_108 : i32 to vector<16xi32>
        %add3A_110 = arith.addi %add3A_109, %iota3A : vector<16xi32>
        %gather3A = tpu.vector_load_idx %arg8[%add3A_110] : memref<528xi32, #tpu.memory_space<vmem>>[vector<16xi32>], vector<16xi32>,
        %sub3A_111 = arith.subi %get3A_95, %gather3A : vector<16xi32>
        %max3A_112 = arith.constant 0 : i32
        %max3A_113 = vector.broadcast %max3A_112 : i32 to vector<16xi32>
        %max3A_114 = arith.maxsi %sub3A_111, %max3A_113 : vector<16xi32>
        %add3A_115 = vector.broadcast %mul3A_93 : i32 to vector<16xi32>
        %add3A_116 = arith.addi %add3A_115, %iota3A : vector<16xi32>
        %lt3A_117 = vector.broadcast %reduce_max3A_39 : i32 to vector<16xi32>
        %lt3A_118 = arith.cmpi slt, %add3A_116, %lt3A_117 : vector<16xi32>
        %jit3A_119 = arith.constant 0 : i32
        %broadcast_in_dim3A_120 = vector.broadcast %jit3A_119 : i32 to vector<16xi32>
        %select_n3A_121 = arith.select %lt3A_118, %max3A_114, %broadcast_in_dim3A_120 : vector<16xi1>, vector<16xi32>
        %swap3A_122 = arith.index_cast %mul3A_93 : i32 to index
        %swap3A_123 = tpu.vector_load %arg9[%swap3A_122] {strides = array<i32>} : memref<512xi32, #tpu.memory_space<vmem>>, vector<16xi32>,
        tpu.vector_store %arg9[%swap3A_122], %select_n3A_121 {strides = array<i32>} : memref<512xi32, #tpu.memory_space<vmem>>, vector<16xi32>,
        %add3A_124 = arith.constant 32 : i32
        %add3A_125 = arith.addi %mul3A_93, %add3A_124 : i32
        %sub3A_126 = arith.constant 1 : i32
        %sub3A_127 = arith.subi %add3A_125, %sub3A_126 : i32
        %add3A_128 = vector.broadcast %sub3A_127 : i32 to vector<16xi32>
        %add3A_129 = arith.addi %broadcast_in_dim3A_41, %add3A_128 : vector<16xi32>
        %gather3A_130 = tpu.vector_load_idx %arg8[%add3A_129] : memref<528xi32, #tpu.memory_space<vmem>>[vector<16xi32>], vector<16xi32>,
        scf.yield %gather3A_130 : vector<16xi32>
      }
      %scan3A_90 = arith.constant 32 : i32
      "tpu.region"() ({
        %run_scoped3A = tpu.sem_alloc : memref<!tpu.dma_semaphore, #tpu.memory_space<semaphore_mem>>
        %dma_start3A_91 = arith.constant 0 : i32
        %dma_start3A_92 = tpu.memref_slice %arg5[%arg1, %dma_start3A_91] : memref<16x512xi32, #tpu.memory_space<hbm>> -> memref<1x512xi32, #tpu.memory_space<hbm>>
        %dma_start3A_93 = tpu.memref_squeeze %dma_start3A_92 : memref<1x512xi32, #tpu.memory_space<hbm>> -> memref<512xi32, #tpu.memory_space<hbm>>
        %dma_start3A_94 = arith.constant 0 : i32
        %dma_start3A_95 = tpu.memref_slice %arg5[%arg1, %dma_start3A_94] : memref<16x512xi32, #tpu.memory_space<hbm>> -> memref<1x512xi32, #tpu.memory_space<hbm>>
        %dma_start3A_96 = tpu.memref_squeeze %dma_start3A_95 : memref<1x512xi32, #tpu.memory_space<hbm>> -> memref<512xi32, #tpu.memory_space<hbm>>
        tpu.enqueue_dma source(%arg9 : memref<512xi32, #tpu.memory_space<vmem>>) target(%dma_start3A_96 : memref<512xi32, #tpu.memory_space<hbm>>) target_semaphore(%run_scoped3A : memref<!tpu.dma_semaphore, #tpu.memory_space<semaphore_mem>>)
        %dma_wait3A_97 = arith.constant 0 : i32
        %dma_wait3A_98 = tpu.memref_slice %arg5[%arg1, %dma_wait3A_97] : memref<16x512xi32, #tpu.memory_space<hbm>> -> memref<1x512xi32, #tpu.memory_space<hbm>>
        %dma_wait3A_99 = tpu.memref_squeeze %dma_wait3A_98 : memref<1x512xi32, #tpu.memory_space<hbm>> -> memref<512xi32, #tpu.memory_space<hbm>>
        %dma_wait3A_100 = arith.constant 0 : i32
        %dma_wait3A_101 = tpu.memref_slice %arg5[%arg1, %dma_wait3A_100] : memref<16x512xi32, #tpu.memory_space<hbm>> -> memref<1x512xi32, #tpu.memory_space<hbm>>
        %dma_wait3A_102 = tpu.memref_squeeze %dma_wait3A_101 : memref<1x512xi32, #tpu.memory_space<hbm>> -> memref<512xi32, #tpu.memory_space<hbm>>
        tpu.wait_dma2 semaphore(%run_scoped3A : memref<!tpu.dma_semaphore, #tpu.memory_space<semaphore_mem>>) src(%arg9 : memref<512xi32, #tpu.memory_space<vmem>>) dst(%dma_wait3A_102 : memref<512xi32, #tpu.memory_space<hbm>>)
        tpu.yield
      }) : () -> ()
    } else {
    }
    return
  }
}

module attributes {stable_mosaic.version = 14 : i64} {
  func.func @_tc_weights(%arg0: memref<16x4096xi32, #tpu.memory_space<vmem>>, %arg1: memref<16x1xi32, #tpu.memory_space<vmem>>, %arg2: memref<16x4096xi32, #tpu.memory_space<vmem>>) attributes {dimension_semantics = [], scalar_prefetch = 0 : i64, scratch_operands = 0 : i64, tpu.core_type = #tpu.core_type<tc>} {
    %iota3A = tpu.iota {dimensions = array<i32: 1>} : vector<16x4096xi32>
    %get3A = arith.constant 0 : index
    %get3A_0 = arith.constant 0 : index
    %get3A_1 = vector.load %arg1[%get3A, %get3A_0] : memref<16x1xi32, #tpu.memory_space<vmem>>, vector<16x1xi32>
    %lt3A = vector.broadcast %get3A_1 : vector<16x1xi32> to vector<16x4096xi32>
    %lt3A_2 = arith.cmpi slt, %iota3A, %lt3A : vector<16x4096xi32>
    %get3A_3 = arith.constant 0 : index
    %get3A_4 = arith.constant 0 : index
    %get3A_5 = vector.load %arg0[%get3A_3, %get3A_4] : memref<16x4096xi32, #tpu.memory_space<vmem>>, vector<16x4096xi32>
    %add3A = arith.constant -10000 : i32
    %add3A_6 = vector.broadcast %add3A : i32 to vector<16x4096xi32>
    %add3A_7 = arith.addi %get3A_5, %add3A_6 : vector<16x4096xi32>
    %select_n3A = arith.select %lt3A_2, %get3A_5, %add3A_7 : vector<16x4096xi1>, vector<16x4096xi32>
    %swap3A = arith.constant 0 : index
    %swap3A_8 = arith.constant 0 : index
    %swap3A_9 = vector.load %arg2[%swap3A, %swap3A_8] : memref<16x4096xi32, #tpu.memory_space<vmem>>, vector<16x4096xi32>
    tpu.vector_store %arg2[%swap3A, %swap3A_8], %select_n3A {strides = array<i32>} : memref<16x4096xi32, #tpu.memory_space<vmem>>, vector<16x4096xi32>,
    return
  }
}

</mosaic_0001>

<sc_bundles>
// kernel: kernel.4.cloned.1.call-start
scs
__scs_entry_jumppad:
0x0: {  	(pc) =	sbr.rel $0x88, $3  }
0x1: {  	(tag) =	ssettag $0x0;
	lr =	simm.s32 $0x1  }
0x2: {  	[smem:$0x3F9E] =	sst lr;
	_ =	strace $0xD0000000  }
0x3: {  	_ = 	snop  }
0x4: {  	_ = 	snop  }
0x5: {  	_ = 	snop  }
0x6: {  	_ = 	snop  }
0x7: {  	_ = 	snop  }
__scs_overlays_trampoline_lowered:
0x8: {  	[smem:$0x3FAD] =	sst s0  }
0x9: {  	[smem:$0x3FAE] =	sst s1  }
0xa: {  	[smem:$0x3FAF] =	sst s2  }
0xb: {  	[smem:$0x3FB0] =	sst s3  }
0xc: {  	[smem:$0x3FB1] =	sst s4  }
0xd: {  	[smem:$0x3FB2] =	sst s5  }
0xe: {  	[smem:$0x3FB3] =	sst s6  }
0xf: {  	[smem:$0x3FB4] =	sst s7  }
0x10: {  	[smem:$0x3FB5] =	sst s8  }
0x11: {  	[smem:$0x3FB6] =	sst s9;
	s0 =	simm.s32 @!p0 $0x0  }
0x12: {  	s1 =	sld [smem:$0x3F9C];
	s0 =	simm.s32 @p0 $0x1  }
0x13: {  	[smem:$0x3FB7] =	sst s0;
	s0 =	simm.s32 @!p1 $0x0  }
0x14: {  	s2 =	sld [smem:$0x3F9B];
	s0 =	simm.s32 @p1 $0x1  }
0x15: {  	[smem:$0x3FB8] =	sst s0;
	s0 =	simm.s32 @!p2 $0x0  }
0x16: {  	s3 =	sld [smem:$0x3FDB];
	s0 =	simm.s32 @p2 $0x1  }
0x17: {  	s4 =	simm.s32 $0x1BF5;
	[smem:$0x3FBA] =	sst s0  }
0x18: {  	s0 =	sld [smem:$0x3F9D];
	_ =	swait.ge [sflag:s4], $0x0  }
0x19: {  	s7 =	sld [smem:$0x3F9E]  }
0x1a: {  	s8 =	sadd.s32 $0xFFFFE003, lr  }
0x1b: {  	s9 =	sadd.s32 $0xFFFFFEF7, lr;
	s5 =	simm.s32 $0xFFFFFFFF;
	p2 =	slt.u32 s8, $0xFFFFF086  }
0x1c: {  	p1 =	slt.u32 s9, $0xF7A;
	s5 =	simm.s32 @!p2 $0x0  }
0x1d: {  	s5 =	simm.s32 @p1 $0x1;
	p0 =	seq.s32 s7, s2  }
0x1e: {  	s7 =	smul.u32 @!p0 $0xF7A, s2;
	p2 =	seq.s32 @!p0 s5, $0x0  }
0x1f: {  	s9 =	smul.u32 $0xF7A, s1;
	s8 =	simm.s32 @!p0 $0x1BF5;
	p2 =	por !p2, p0  }
0x20: {  	[sflag:s8] =	ssyncset.s32 @!p0 $0xFFFFF086;
	s6 =	sadd.s32 @!p0 s3, s7;
	s7 =	simm.s32 @!p0 $0x108  }
0x21: {  	s3 =	sadd.s32 s3, s9;
	s6 =	sadd.s32 @!p0 $0x88, s6;
	s7 =	simm.s32 @p2 $0x1082  }
0x22: {  	[simem:s7], [sflag:s8] =	dma.local @!p0 [hbm:s6], $0xF7A  }
0x23: {  	s9 =	sor.u32 $0xD0000000, s2;
	s6 =	simm.s32 $0x108;
	_ =	swait.ge @!p0 [sflag:s8], $0x0  }
0x24: {  	s3 =	sadd.s32 $0x88, s3;
	s6 =	simm.s32 @!p1 $0x1082;
	[sflag:s4] =	ssyncset.s32 $0xFFFFF086  }
0x25: {  	[simem:s6], [sflag:s4] =	dma.local [hbm:s3], $0xF7A  }
0x26: {  	[smem:$0x3F9E] =	sst s1;
	(tag) =	ssettag s2;
	_ =	strace s9  }
0x27: {  	s1 =	sld [smem:$0x3FAE]  }
0x28: {  	s2 =	sld [smem:$0x3FAF]  }
0x29: {  	s4 =	sld [smem:$0x3FB1]  }
0x2a: {  	p0 =	seq.s32 s5, $0x0;
	s5 =	sld [smem:$0x3FB2]  }
0x2b: {  	s6 =	sld [smem:$0x3FB3]  }
0x2c: {  	s7 =	sld [smem:$0x3FB4]  }
0x2d: {  	s3 =	simm.s32 $0x108;
	s8 =	sld [smem:$0x3FB5]  }
0x2e: {  	s3 =	simm.s32 @!p0 $0x1082;
	s9 =	sld [smem:$0x3FB6]  }
0x2f: {  	lr =	sadd.s32 s0, s3;
	s0 =	sld [smem:$0x3FAD]  }
0x30: {  	s3 =	sld [smem:$0x3FB0]  }
0x31: {  	[smem:$0x3FB9] =	sst s10  }
0x32: {  	s10 =	sld [smem:$0x3FB7];
	_ =	sdelay $0x3  }
0x33: {  	p0 =	seq.s32 s10, $0x1;
	s10 =	sld [smem:$0x3FB9];
	_ =	sdelay $0x3  }
0x34: {  	[smem:$0x3FB9] =	sst s10  }
0x35: {  	s10 =	sld [smem:$0x3FB8];
	_ =	sdelay $0x3  }
0x36: {  	p1 =	seq.s32 s10, $0x1;
	s10 =	sld [smem:$0x3FB9];
	_ =	sdelay $0x3  }
0x37: {  	[smem:$0x3FB9] =	sst s10  }
0x38: {  	s10 =	sld [smem:$0x3FBA]  }
0x39: {  	_ = 	snop;
	(pc) =	sbr.ind lr, $3  }
0x3a: {  	_ = 	snop  }
0x3b: {  	_ = 	snop  }
0x3c: {  	p2 =	seq.s32 s10, $0x1;
	s10 =	sld [smem:$0x3FB9]  }
0x3d: {  	_ =	shalt  }
0x3e: {  	_ =	shalt  }
0x3f: {  	_ =	shalt  }
0x40: {  	_ =	shalt  }
0x41: {  	_ =	shalt  }
0x42: {  	_ =	shalt  }
0x43: {  	_ =	shalt  }
0x44: {  	_ =	shalt  }
0x45: {  	_ =	shalt  }
0x46: {  	_ =	shalt  }
0x47: {  	_ =	shalt  }
0x48: {  	_ =	shalt  }
0x49: {  	_ =	shalt  }
0x4a: {  	_ =	shalt  }
0x4b: {  	_ =	shalt  }
0x4c: {  	_ =	shalt  }
0x4d: {  	_ =	shalt  }
0x4e: {  	_ =	shalt  }
0x4f: {  	_ =	shalt  }
0x50: {  	_ =	shalt  }
0x51: {  	_ =	shalt  }
0x52: {  	_ =	shalt  }
0x53: {  	_ =	shalt  }
0x54: {  	_ =	shalt  }
0x55: {  	_ =	shalt  }
0x56: {  	_ =	shalt  }
0x57: {  	_ =	shalt  }
0x58: {  	_ =	shalt  }
0x59: {  	_ =	shalt  }
0x5a: {  	_ =	shalt  }
0x5b: {  	_ =	shalt  }
0x5c: {  	_ =	shalt  }
0x5d: {  	_ =	shalt  }
0x5e: {  	_ =	shalt  }
0x5f: {  	_ =	shalt  }
0x60: {  	_ =	shalt  }
0x61: {  	_ =	shalt  }
0x62: {  	_ =	shalt  }
0x63: {  	_ =	shalt  }
0x64: {  	_ =	shalt  }
0x65: {  	_ =	shalt  }
0x66: {  	_ =	shalt  }
0x67: {  	_ =	shalt  }
0x68: {  	_ =	shalt  }
0x69: {  	_ =	shalt  }
0x6a: {  	_ =	shalt  }
0x6b: {  	_ =	shalt  }
0x6c: {  	_ =	shalt  }
0x6d: {  	_ =	shalt  }
0x6e: {  	_ =	shalt  }
0x6f: {  	_ =	shalt  }
0x70: {  	_ =	shalt  }
0x71: {  	_ =	shalt  }
0x72: {  	_ =	shalt  }
0x73: {  	_ =	shalt  }
0x74: {  	_ =	shalt  }
0x75: {  	_ =	shalt  }
0x76: {  	_ =	shalt  }
0x77: {  	_ =	shalt  }
0x78: {  	_ =	shalt  }
0x79: {  	_ =	shalt  }
0x7a: {  	_ =	shalt  }
0x7b: {  	_ =	shalt  }
0x7c: {  	_ =	shalt  }
0x7d: {  	_ =	shalt  }
0x7e: {  	_ =	shalt  }
0x7f: {  	_ =	shalt  }
0x80: {  	_ =	shalt  }
0x81: {  	_ =	shalt  }
0x82: {  	_ =	shalt  }
0x83: {  	_ =	shalt  }
0x84: {  	_ =	shalt  }
0x85: {  	_ =	shalt  }
0x86: {  	_ =	shalt  }
0x87: {  	_ =	shalt  }
.Lfunc_end0:
.L_simem_size_0:
called_computation_lowered:
.L_overlay_start_0:
0x88: {  	s0 =	sld [smem:$0x3FD9]  }
0x89: {  	s1 =	sld [smem:$0x3FFE];
	_ =	sdelay $0x3  }
0x8a: {  	s0 =	sadd.s32 s1, s0  }
0x8b: {  	[smem:$0x3FC5] =	sst s0  }
0x8c: {  	_ = 	snop  }
0x8d: {  	s0 =	sld [smem:$0x3FD0]  }
0x8e: {  	s14 =	sld [smem:$0x3FC9]  }
0x8f: {  	s2 =	sld [smem:$0x3FC8]  }
0x90: {  	s4 =	simm.s32 $0xA;
	s5 =	simm.s32 $0x10;
	s3 =	sld [smem:$0x3FC7]  }
0x91: {  	[smem:s5], [sflag:s4] =	dma.local [hbm:s0], $0x1  }
0x92: {  	_ =	swait.eq [sflag:s4], $0x1  }
0x93: {  	[sflag:s4] =	ssyncset.done $0x0  }
0x94: {  	[sflag:s4] =	ssyncadd.s32 $0xFFFFFFFF  }
0x95: {  	s15 =	sld [smem:$0x11];
	(tm) =	ssettm $0x1  }
0x96: {  	s16 =	sld [smem:$0x3FFB];
	_ =	sdelay $0x3  }
0x97: {  	_ =	strace s16  }
0x98: {  	s4 =	sld [smem:$0x3FFC];
	_ =	sdelay $0x3  }
0x99: {  	_ =	strace s4  }
0x9a: {  	s4 =	sld [smem:$0x3FFD];
	_ =	sdelay $0x3  }
0x9b: {  	_ =	strace s4  }
0x9c: {  	_ =	strace $0x8FFFFFFF  }
0x9d: {  	s17 =	sld [smem:$0x3FDB];
	_ =	sdelay $0x1  }
0x9e: {  	s18 =	simm.s32 $_scs_section_size  }
0x9f: {  	s6 =	simm.s32 $_size__tile_overlayer_lowered;
	s7 =	simm.s32 $_tile_overlayer_lowered  }
0xa0: {  	s21 =	simm.s32 $0x1BFF;
	s20 =	sshll.u32 s7, $0x1;
	s4 =	sadd.s32 s18, s17  }
0xa1: {  	s8 =	simm.s32 $0x0;
	s19 =	sshll.u32 s6, $0x1;
	s6 =	sadd.s32 s20, s4  }
0xa2: {  	[timem:s8], [sflag:s21] =	dma.local [hbm:s6], s19  }
0xa3: {  	_ =	swait.ge [sflag:s21], s19  }
0xa4: {  	s5 =	ssub.s32 $0x0, s19;
	[sflag:s21] =	ssyncset.done $0x0  }
0xa5: {  	[sflag:s21] =	ssyncadd.s32 s5;
	_ =	sdelay $0x1  }
0xa6: {  	s22 =	simm.s32 $0x1B8B  }
0xa7: {  	_ =	swait.ge [sflag:s22], $0x1  }
0xa8: {  	[sflag:s22] =	ssyncset.done $0x0  }
0xa9: {  	s23 =	simm.s32 $0x1B8E;
	[sflag:s22] =	ssyncadd.s32 $0xFFFFFFFF  }
0xaa: {  	s24 =	simm.s32 $execute0_lowered;
	[smem:$0x3FD2] =	sst s23  }
0xab: {  	s5 =	sshll.u32 s24, $0x1;
	_ =	strace $0x80000046;
	[dreg:$0x1] =	wrdreg $0xFFFFFFFF  }
0xac: {  	s25 =	simm.s32 $_size_execute0_lowered;
	s4 =	sadd.s32 s4, s5;
	[dreg:$0x0] =	wrdreg $0x0  }
0xad: {  	s5 =	sshll.u32 s25, $0x1;
	[dreg:$0x2] =	wrdreg s4  }
0xae: {  	[dreg:$0x3] =	wrdreg s5  }
0xaf: {  	[dreg:$0x4] =	wrdreg $0xC0  }
0xb0: {  	_ =	task [dreg:s8], $0x5FFFF  }
0xb1: {  	[dreg:$0x1] =	wrdreg $0xFFFFFFFF  }
0xb2: {  	[dreg:$0x0] =	wrdreg $0x60  }
0xb3: {  	[dreg:$0x2] =	wrdreg s14  }
0xb4: {  	[dreg:$0x3] =	wrdreg s2  }
0xb5: {  	[dreg:$0x4] =	wrdreg s3  }
0xb6: {  	[dreg:$0x5] =	wrdreg s15  }
0xb7: {  	[dreg:$0x6] =	wrdreg $0x9  }
0xb8: {  	_ =	task.clear_ibuf [dreg:s8], $0x7FFFF;
	_ =	strace $0x90000046  }
0xb9: {  	s26 =	simm.s32 $0x9;
	_ =	strace $0x80000048  }
0xba: {  	_ =	swait.ge [sflag:s26], $0x1  }
0xbb: {  	[sflag:s26] =	ssyncadd.s32 $0xFFFFFFFF  }
0xbc: {  	_ =	strace $0x90000048  }
0xbd: {  	_ =	sfence  }
0xbe: {  	s28 =	sld [smem:$0x0];
	_ =	sdelay $0x1  }
0xbf: {  	s29 =	srdreg.scid  }
0xc0: {  	s30 =	sshll.u32 s29, $0xD;
	s31 =	sshrl.u32 s29, $0x2  }
0xc1: {  	s1 =	sand.u32 $0x1, s29;
	s2 =	sand.u32 $0x4000, s30;
	s0 =	sadd.s32 s31, s28  }
0xc2: {  	s1 =	sor.u32 s2, s1;
	s0 =	sshll.u32 s0, $0x11  }
0xc3: {  	s0 =	sor.u32 s0, s1  }
0xc4: {  	s0 =	sadd.s32 $0x8F2B, s0  }
0xc5: {  	[sflag:s0] =	ssyncadd.remote.s32 $0x1  }
0xc6: {  	_ =	sfence.sel $0xFFFF  }
0xc7: {  	[dreg:$0x0] =	wrdreg $0xFFFFFFFF;
	(pc) =	sbr.abs _section_cstart, $3  }
0xc8: {  	[dreg:$0x1] =	wrdreg $0xFFFFFFFF  }
0xc9: {  	_ =	task.clear_ibuf [dreg:s8], $0x2FFFF;
	_ =	strace $0x9FFFFFFF  }
0xca: {  	(tm) =	ssettm $0x7FFFFFFF  }
0xcb: {  	_ =	shalt  }
tec
execute0_lowered:
.L_overlay_start_1:
0x0: {  	(tag) =	ssettag $0x1  }
0x1: {  	s5 =	rddreg [dreg:$0x0]  }
0x2: {  	s6 =	rddreg [dreg:$0x1];
	s1 =	stileid.u32  }
0x3: {  	s7 =	rddreg [dreg:$0x2];
	s3 =	sshrl.u32 s1, $0x3;
	s4 =	sshll.u32 s1, $0x7  }
0x4: {  	s2 =	rddreg [dreg:$0x3];
	s4 =	sand.u32 $0x380, s4;
	s9 =	sshll.u32 s3, $0xF  }
0x5: {  	s0 =	rddreg [dreg:$0x4];
	s8 =	simm.s32 $0x0;
	s9 =	sor.u32 s4, s9  }
0x6: {  	s16 =	simm.s32 $0x80;
	[smem:$0x7FF] =	sst s8;
	s9 =	sshrl.u32 s9, $0x3  }
0x7: {  	s10 =	simm.s32 $0x400;
	_ =	strace $0x80000047;
	s5 =	sadd.s32 s5, s9  }
0x8: {  	[tilespmem:s8], [sflag:$0x1] =	stream.strided.gather [hbm4b:s5+s16], $0x800, s10, s16, $0x38;
	[tilespmem:$0x1800] =	vst v63  }
0x9: {  	s11 =	simm.s32 $0x800;
	s5 =	sadd.s32 $0x800, s5  }
0xa: {  	[tilespmem:s11], [sflag:$0x2] =	stream.strided.gather [hbm4b:s5+s16], $0x800, s10, s16, $0x38;
	[tilespmem:$0x1800] =	vst v63  }
0xb: {  	s17 =	simm.s32 $0x1700;
	s18 =	simm.s32 $0x3  }
0xc: {  	[tilespmem:s17], [sflag:$0x3] =	stream.linear.gather [hbm4b:s6+s8], $0x80, $0x38;
	[tilespmem:$0x1800] =	vst v63  }
0xd: {  	_ =	swait.ge [sflag:s18], $0x80  }
0xe: {  	[sflag:s18] =	ssyncset.done $0x0  }
0xf: {  	s19 =	simm.s32 $0x1780;
	[sflag:s18] =	ssyncadd.s32 $0xFFFFFF80  }
0x10: {  	[tilespmem:s19], [sflag:$0x3] =	stream.linear.gather [hbm4b:s7+s8], $0x80, $0x38;
	[tilespmem:$0x1800] =	vst v63  }
0x11: {  	_ =	swait.ge [sflag:s18], $0x80  }
0x12: {  	[sflag:s18] =	ssyncset.done $0x0  }
0x13: {  	v1 =	vimm.s32 $0x0;
	[sflag:s18] =	ssyncadd.s32 $0xFFFFFF80  }
0x14: {  	[tilespmem:$0x1080] =	vst v1  }
0x15: {  	[tilespmem:$0x1090] =	vst v1  }
0x16: {  	[tilespmem:$0x10A0] =	vst v1  }
0x17: {  	v0 =	vld [tilespmem:$0x1700];
	[tilespmem:$0x10B0] =	vst v1  }
0x18: {  	[tilespmem:$0x10C0] =	vst v1  }
0x19: {  	[tilespmem:$0x10D0] =	vst v1  }
0x1a: {  	[tilespmem:$0x10E0] =	vst v1  }
0x1b: {  	v3 =	vlaneseq.u32;
	v2 =	vmov s1;
	[tilespmem:$0x10F0] =	vst v1  }
0x1c: {  	vm0 =	veq.s32 v2, v3;
	[tilespmem:$0x1100] =	vst v1;
	v0 =	vxor.u32 $0x80000000, v0  }
0x1d: {  	[tilespmem:$0x1110] =	vst v1;
	v0 =	vnsel vm0, $0x80000000, v0  }
0x1e: {  	[tilespmem:$0x1120] =	vst v1;
	(xrf0) =	vmax.scan.msk.u32 $0xffff, v0  }
0x1f: {  	[tilespmem:$0x1130] =	vst v1  }
0x20: {  	[tilespmem:$0x1140] =	vst v1  }
0x21: {  	[tilespmem:$0x1150] =	vst v1  }
0x22: {  	[tilespmem:$0x1160] =	vst v1  }
0x23: {  	[tilespmem:$0x1170] =	vst v1  }
0x24: {  	[tilespmem:$0x1180] =	vst v1;
	v0, _, _ =	vpop (xrf0)  }
0x25: {  	[tilespmem:$0x1190] =	vst v1;
	(v2sf) =	vpush v0, $0xF  }
0x26: {  	[tilespmem:$0x11A0] =	vst v1  }
0x27: {  	[tilespmem:$0x11B0] =	vst v1  }
0x28: {  	[tilespmem:$0x11C0] =	vst v1  }
0x29: {  	[tilespmem:$0x11D0] =	vst v1  }
0x2a: {  	[tilespmem:$0x11E0] =	vst v1  }
0x2b: {  	[tilespmem:$0x11F0] =	vst v1  }
0x2c: {  	[tilespmem:$0x1200] =	vst v1  }
0x2d: {  	[tilespmem:$0x1210] =	vst v1  }
0x2e: {  	[tilespmem:$0x1220] =	vst v1  }
0x2f: {  	[tilespmem:$0x1230] =	vst v1  }
0x30: {  	[tilespmem:$0x1240] =	vst v1  }
0x31: {  	[tilespmem:$0x1250] =	vst v1  }
0x32: {  	[tilespmem:$0x1260] =	vst v1  }
0x33: {  	[tilespmem:$0x1270] =	vst v1  }
0x34: {  	s21 =	simm.s32 $0x1;
	[tilespmem:$0x1280] =	vst v1;
	s20 =	spop (v2sf)  }
0x35: {  	v0 =	vld [tilespmem:$0x1780];
	_ =	swait.ge [sflag:s21], $0x800  }
0x36: {  	[sflag:s21] =	ssyncset.done $0x0  }
0x37: {  	s22 =	simm.s32 $0x40;
	[sflag:s21] =	ssyncadd.s32 $0xFFFFF800  }
0x38: {  	v9 =	vld [tilespmem:s22+$0x30]  }
0x39: {  	v1 =	vld [tilespmem:s22+$0x31]  }
0x3a: {  	v4 =	vld [tilespmem:s22+$0xFFFFFFC0]  }
0x3b: {  	v7 =	vld [tilespmem:s22+$0xFFFFFFC1]  }
0x3c: {  	v6 =	vld [tilespmem:s22+$0xFFFFFFD0]  }
0x3d: {  	v20 =	vld [tilespmem:s22+$0xFFFFFFD1]  }
0x3e: {  	v2 =	vld [tilespmem:s22+$0xFFFFFFE0]  }
0x3f: {  	v21 =	vld [tilespmem:s22+$0xFFFFFFE1]  }
0x40: {  	s24 =	simm.s32 $0x10;
	s25 =	simm.s32 $0x20;
	s26 =	simm.s32 $0x30;
	v5 =	vadd.s32 $0x1, v3;
	v3 =	vld [tilespmem:s22+$0xFFFFFFF0];
	vm2 =	vne.s32 v9, v1  }
0x41: {  	s28 =	simm.s32 $0x40;
	s29 =	simm.s32 $0x50;
	s30 =	simm.s32 $0x0;
	v11 =	vadd.s32 s24, v5;
	v10 =	vor.u32 s25, v5;
	v14 =	vadd.s32 s26, v5;
	v12 =	vld [tilespmem:s22+$0xFFFFFFF1]  }
0x42: {  	v13 =	vor.u32 s28, v5;
	v18 =	vor.u32 s30, v5;
	v15 =	vadd.s32 s29, v5;
	s5 =	simm.s32 $0x70;
	s23 =	sxor.u32 $0x80000000, s20;
	v17 =	vld [tilespmem:s22+$0x1]  }
0x43: {  	v8 =	vadd.s32 s5, v5;
	v1 =	vmov s23;
	vm0 =	vne.s32 v4, v7;
	v7 =	vld [tilespmem:s22+$0x0]  }
0x44: {  	v19 =	vld [tilespmem:s22+$0x11];
	vm4 =	vne.s32 v6, v20;
	vm1 =	vlt.s32 v8, v1;
	vm9 =	vlt.s32 v18, v1  }
0x45: {  	s31 =	simm.s32 $0x60;
	s6 =	simm.s32 $0x1080;
	vm5 =	vlt.s32 v10, v1;
	vm7 =	vlt.s32 v14, v1;
	v16 =	vsel vm1, v8, v1;
	v8 =	vld [tilespmem:s22+$0x10]  }
0x46: {  	v20 =	vld [tilespmem:s22+$0x21];
	vm6 =	vlt.s32 v13, v1;
	vm3 =	vlt.s32 v15, v1;
	[tilespmem:v9+s6+$0x0] =	vst.idx.msk vm2, v16;
	v16 =	vor.u32 s31, v5  }
0x47: {  	s7 =	simm.s32 $0x0;
	s8 =	simm.s32 $0xC0;
	vm1 =	vlt.s32 v11, v1;
	v9 =	vld [tilespmem:s22+$0x20];
	vm2 =	vne.s32 v2, v21;
	vm8 =	vlt.s32 v16, v1  }
.LBB2_1:
0x48: {  	v21 =	vld [tilespmem:s8+$0x30];
	v18 =	vsel vm9, v18, v1;
	vm10 =	vne.s32 v3, v12;
	vm9 =	vne.s32 v7, v17  }
0x49: {  	s7 =	sadd.s32 $0x8, s7;
	v11 =	vsel vm1, v11, v1;
	v10 =	vsel vm5, v10, v1;
	v14 =	vsel vm7, v14, v1;
	v12 =	vld [tilespmem:s8+$0x31]  }
0x4a: {  	v13 =	vsel vm6, v13, v1;
	v15 =	vsel vm3, v15, v1;
	p0 =	slt.u32 s7, $0x70;
	v17 =	vld [tilespmem:s8+$0xFFFFFFC0];
	vm5 =	vne.s32 v8, v19  }
0x4b: {  	v16 =	vsel vm8, v16, v1;
	v19 =	vld [tilespmem:s8+$0xFFFFFFC1];
	[tilespmem:v4+s6+$0x0] =	vst.idx.msk vm0, v18  }
0x4c: {  	v18 =	vld [tilespmem:s8+$0xFFFFFFD0];
	vm1 =	vne.s32 v9, v20  }
0x4d: {  	v20 =	vld [tilespmem:s8+$0xFFFFFFD1];
	[tilespmem:v6+s6+$0x0] =	vst.idx.msk vm4, v11  }
0x4e: {  	vm3 =	vne.s32 v21, v12;
	[tilespmem:v2+s6+$0x0] =	vst.idx.msk vm2, v10;
	v2 =	vld [tilespmem:s8+$0xFFFFFFE0]  }
0x4f: {  	v22 =	vld [tilespmem:s8+$0xFFFFFFE1];
	[tilespmem:v3+s6+$0x0] =	vst.idx.msk vm10, v14;
	v4 =	vmov v17  }
0x50: {  	s5 =	sadd.s32 $0x80, s5;
	vm0 =	vne.s32 v4, v19;
	v3 =	vld [tilespmem:s8+$0xFFFFFFF0];
	[tilespmem:v7+s6+$0x0] =	vst.idx.msk vm9, v13  }
0x51: {  	s9 =	sadd.s32 $0xFFFFFFA0, s5;
	s10 =	sadd.s32 $0xFFFFFFB0, s5;
	s11 =	sadd.s32 $0xFFFFFFC0, s5;
	v19 =	vadd.s32 s5, v5;
	v12 =	vld [tilespmem:s8+$0xFFFFFFF1];
	[tilespmem:v8+s6+$0x0] =	vst.idx.msk vm5, v15;
	v6 =	vmov v18  }
0x52: {  	s12 =	sadd.s32 $0xFFFFFFF0, s5;
	v11 =	vadd.s32 s9, v5;
	s9 =	sadd.s32 $0xFFFFFFD0, s5;
	v10 =	vor.u32 s10, v5;
	s10 =	sadd.s32 $0xFFFFFFE0, s5;
	vm2 =	vlt.s32 v19, v1;
	v7 =	vld [tilespmem:s8+$0x0];
	[tilespmem:v9+s6+$0x0] =	vst.idx.msk vm1, v16  }
.Ltmp0:
0x53: {  	s13 =	sadd.s32 $0xFFFFFF90, s5;
	v14 =	vadd.s32 s11, v5;
	v13 =	vor.u32 s9, v5;
	v9 =	vsel vm2, v19, v1;
	v17 =	vld [tilespmem:s8+$0x1];
	(pc) =	sbr.rel @p0 .LBB2_1-.Ltmp0, $4  }
0x54: {  	v18 =	vor.u32 s13, v5;
	v15 =	vadd.s32 s10, v5;
	vm1 =	vlt.s32 v11, v1;
	v8 =	vld [tilespmem:s8+$0x10];
	[tilespmem:v21+s6+$0x0] =	vst.idx.msk vm3, v9  }
0x55: {  	vm5 =	vlt.s32 v10, v1;
	vm9 =	vlt.s32 v18, v1;
	v16 =	vor.u32 s12, v5;
	v19 =	vld [tilespmem:s8+$0x11]  }
0x56: {  	vm7 =	vlt.s32 v14, v1;
	vm6 =	vlt.s32 v13, v1;
	vm3 =	vlt.s32 v15, v1;
	v9 =	vld [tilespmem:s8+$0x20]  }
0x57: {  	vm4 =	vne.s32 v6, v20;
	vm8 =	vlt.s32 v16, v1;
	vm2 =	vne.s32 v2, v22;
	v20 =	vld [tilespmem:s8+$0x21];
	s8 =	sadd.s32 $0x80, s8  }
0x58: {  	_ =	sdelay $0x1  }
0x59: {  	vm10 =	vne.s32 v3, v12  }
0x5a: {  	vm11 =	vne.s32 v7, v17  }
0x5b: {  	v5 =	vsel vm9, v18, v1;
	vm14 =	vne.s32 v8, v19  }
0x5c: {  	v11 =	vsel vm1, v11, v1;
	[tilespmem:v4+s6+$0x0] =	vst.idx.msk vm0, v5;
	vm15 =	vne.s32 v9, v20  }
0x5d: {  	v62 =	vsel vm5, v10, v1;
	[tilespmem:v6+s6+$0x0] =	vst.idx.msk vm4, v11  }
0x5e: {  	v63 =	vsel vm7, v14, v1;
	[tilespmem:v2+s6+$0x0] =	vst.idx.msk vm2, v62  }
0x5f: {  	v2 =	vsel vm6, v13, v1;
	[tilespmem:v3+s6+$0x0] =	vst.idx.msk vm10, v63  }
0x60: {  	v3 =	vsel vm3, v15, v1;
	[tilespmem:v7+s6+$0x0] =	vst.idx.msk vm11, v2  }
0x61: {  	v2 =	vsel vm8, v16, v1;
	[tilespmem:v8+s6+$0x0] =	vst.idx.msk vm14, v3;
	v3 =	vlaneseq.u32  }
0x62: {  	s5 =	simm.s32 $0x780;
	s7 =	simm.s32 $0x1080;
	[tilespmem:v9+s6+$0x0] =	vst.idx.msk vm15, v2;
	s6 =	simm.s32 $0x781;
	v2 =	vadd.s32 $0x1, v3  }
.LBB2_3:
0x63: {  	v3 =	vld [tilespmem:s6+$0xFFFFFFFF]  }
0x64: {  	v4 =	vld [tilespmem:s6+$0x0];
	_ =	sdelay $0x4  }
0x65: {  	vm0 =	vne.s32 v3, v4  }
0x66: {  	p0 =	sne.s32 s5, $0x7E0  }
.Ltmp1:
0x67: {  	_ = 	snop;
	(pc) =	sbr.rel @p0 .LBB2_3-.Ltmp1, $4  }
0x68: {  	v63 =	vadd.s32 s5, v2  }
0x69: {  	vm1 =	vlt.s32 v63, v1  }
0x6a: {  	v4 =	vsel vm1, v63, v1  }
0x6b: {  	s6 =	sadd.s32 $0x10, s6;
	s5 =	sadd.s32 $0x10, s5;
	[tilespmem:v3+s7+$0x0] =	vst.idx.msk vm0, v4  }
0x6c: {  	s5 =	simm.s32 $0x2  }
0x6d: {  	_ =	swait.ge [sflag:s5], $0x800  }
0x6e: {  	[sflag:s5] =	ssyncset.done $0x0  }
0x6f: {  	s8 =	simm.s32 $0x861;
	[sflag:s5] =	ssyncadd.s32 $0xFFFFF800  }
0x70: {  	v10 =	vld [tilespmem:s8+$0xFFFFFFFF]  }
0x71: {  	v3 =	vld [tilespmem:s8+$0x0]  }
0x72: {  	v5 =	vld [tilespmem:s8+$0xFFFFFF90]  }
0x73: {  	v6 =	vld [tilespmem:s8+$0xFFFFFF9F]  }
0x74: {  	v11 =	vld [tilespmem:s8+$0xFFFFFFA0]  }
0x75: {  	v2 =	vld [tilespmem:s8+$0xFFFFFFAF]  }
0x76: {  	v20 =	vld [tilespmem:s8+$0xFFFFFFB0]  }
0x77: {  	v4 =	vlaneseq.u32;
	v21 =	vld [tilespmem:s8+$0xFFFFFFC0];
	vm0 =	vne.s32 v10, v3  }
0x78: {  	s6 =	simm.s32 $0x7F0;
	s26 =	simm.s32 $0x800;
	s7 =	simm.s32 $0x860;
	v4 =	vadd.s32 $0x1, v4;
	v7 =	vld [tilespmem:s8+$0xFFFFFFCF]  }
0x79: {  	s9 =	simm.s32 $0x810;
	s28 =	simm.s32 $0x820;
	s29 =	simm.s32 $0x830;
	v8 =	vadd.s32 s6, v4;
	v12 =	vadd.s32 s26, v4;
	v14 =	vadd.s32 s7, v4;
	v22 =	vld [tilespmem:s8+$0xFFFFFFD0]  }
0x7a: {  	s30 =	simm.s32 $0x840;
	v13 =	vadd.s32 s9, v4;
	v15 =	vadd.s32 s28, v4;
	v16 =	vadd.s32 s29, v4;
	v3 =	vld [tilespmem:s8+$0xFFFFFFBF]  }
0x7b: {  	v17 =	vadd.s32 s30, v4;
	vm1 =	vlt.s32 v14, v1;
	vm8 =	vlt.s32 v12, v1;
	v9 =	vld [tilespmem:s8+$0xFFFFFFDF]  }
0x7c: {  	s31 =	simm.s32 $0x850;
	s5 =	simm.s32 $0x1080;
	vm7 =	vlt.s32 v13, v1;
	vm9 =	vlt.s32 v15, v1;
	v19 =	vsel vm1, v14, v1;
	v18 =	vld [tilespmem:s8+$0xFFFFFFE0]  }
0x7d: {  	vm5 =	vlt.s32 v16, v1;
	vm2 =	vlt.s32 v17, v1;
	v14 =	vadd.s32 s31, v4;
	[tilespmem:v10+s5+$0x0] =	vst.idx.msk vm0, v19;
	v10 =	vld [tilespmem:s8+$0xFFFFFFEF]  }
0x7e: {  	vm1 =	vlt.s32 v8, v1;
	vm6 =	vlt.s32 v14, v1;
	vm3 =	vne.s32 v6, v11;
	v19 =	vld [tilespmem:s8+$0xFFFFFFF0]  }
0x7f: {  	s7 =	simm.s32 $0x7F;
	v11 =	vld [tilespmem:s8+$0xFFFFFF8F];
	vm10 =	vne.s32 v2, v20;
	vm4 =	vne.s32 v3, v21;
	vm0 =	vne.s32 v7, v22;
	s8 =	simm.s32 $0x8E1  }
.LBB2_5:
0x80: {  	v20 =	vld [tilespmem:s8+$0xFFFFFFFF];
	v12 =	vsel vm8, v12, v1;
	v13 =	vsel vm7, v13, v1;
	v15 =	vsel vm9, v15, v1  }
0x81: {  	s7 =	sadd.s32 $0x8, s7;
	v16 =	vsel vm5, v16, v1;
	v17 =	vsel vm2, v17, v1;
	v21 =	vld [tilespmem:s8+$0x0];
	vm7 =	vne.s32 v9, v18  }
0x82: {  	v22 =	vsel vm1, v8, v1;
	v23 =	vsel vm6, v14, v1;
	p0 =	slt.u32 s7, $0xF7;
	v18 =	vld [tilespmem:s8+$0xFFFFFF90]  }
0x83: {  	v14 =	vld [tilespmem:s8+$0xFFFFFF9F];
	vm1 =	vne.s32 v10, v19  }
0x84: {  	v19 =	vld [tilespmem:s8+$0xFFFFFFA0];
	vm5 =	vne.s32 v11, v5;
	[tilespmem:v6+s5+$0x0] =	vst.idx.msk vm3, v12  }
0x85: {  	[tilespmem:v2+s5+$0x0] =	vst.idx.msk vm10, v13;
	v2 =	vld [tilespmem:s8+$0xFFFFFFAF]  }
0x86: {  	v24 =	vld [tilespmem:s8+$0xFFFFFFB0];
	vm2 =	vne.s32 v20, v21;
	[tilespmem:v3+s5+$0x0] =	vst.idx.msk vm4, v15  }
0x87: {  	s6 =	sadd.s32 $0x80, s6;
	v3 =	vld [tilespmem:s8+$0xFFFFFFBF];
	[tilespmem:v7+s5+$0x0] =	vst.idx.msk vm0, v16;
	v5 =	vmov v18  }
0x88: {  	v8 =	vadd.s32 s6, v4;
	s9 =	sadd.s32 $0x10, s6;
	s10 =	sadd.s32 $0x20, s6;
	s11 =	sadd.s32 $0x70, s6;
	v21 =	vld [tilespmem:s8+$0xFFFFFFC0];
	[tilespmem:v9+s5+$0x0] =	vst.idx.msk vm7, v17;
	v6 =	vmov v14  }
0x89: {  	s12 =	sadd.s32 $0x50, s6;
	v12 =	vadd.s32 s9, v4;
	s9 =	sadd.s32 $0x30, s6;
	v13 =	vadd.s32 s10, v4;
	s10 =	sadd.s32 $0x40, s6;
	v18 =	vadd.s32 s11, v4;
	v7 =	vld [tilespmem:s8+$0xFFFFFFCF]  }
0x8a: {  	v15 =	vadd.s32 s9, v4;
	s9 =	sadd.s32 $0x60, s6;
	v16 =	vadd.s32 s10, v4;
	vm0 =	vlt.s32 v18, v1;
	v25 =	vld [tilespmem:s8+$0xFFFFFFD0];
	[tilespmem:v11+s5+$0x0] =	vst.idx.msk vm5, v22  }
.Ltmp2:
0x8b: {  	v17 =	vadd.s32 s12, v4;
	v14 =	vadd.s32 s9, v4;
	v11 =	vsel vm0, v18, v1;
	v9 =	vld [tilespmem:s8+$0xFFFFFFDF];
	[tilespmem:v10+s5+$0x0] =	vst.idx.msk vm1, v23;
	(pc) =	sbr.rel @p0 .LBB2_5-.Ltmp2, $4  }
0x8c: {  	vm8 =	vlt.s32 v12, v1;
	vm7 =	vlt.s32 v13, v1;
	v18 =	vld [tilespmem:s8+$0xFFFFFFE0];
	[tilespmem:v20+s5+$0x0] =	vst.idx.msk vm2, v11  }
0x8d: {  	vm9 =	vlt.s32 v15, v1;
	vm5 =	vlt.s32 v16, v1;
	vm2 =	vlt.s32 v17, v1;
	v10 =	vld [tilespmem:s8+$0xFFFFFFEF]  }
0x8e: {  	vm3 =	vne.s32 v6, v19;
	vm6 =	vlt.s32 v14, v1;
	vm1 =	vlt.s32 v8, v1;
	v19 =	vld [tilespmem:s8+$0xFFFFFFF0]  }
0x8f: {  	vm10 =	vne.s32 v2, v24;
	vm4 =	vne.s32 v3, v21;
	v11 =	vld [tilespmem:s8+$0xFFFFFF8F];
	vm0 =	vne.s32 v7, v25;
	s8 =	sadd.s32 $0x80, s8  }
0x90: {  	_ =	sdelay $0x2  }
0x91: {  	vm11 =	vne.s32 v9, v18  }
0x92: {  	v4 =	vsel vm8, v12, v1;
	v60 =	vsel vm7, v13, v1;
	vm7 =	vne.s32 v10, v19  }
0x93: {  	[tilespmem:v6+s5+$0x0] =	vst.idx.msk vm3, v4;
	vm15 =	vne.s32 v11, v5  }
0x94: {  	v61 =	vsel vm9, v15, v1;
	[tilespmem:v2+s5+$0x0] =	vst.idx.msk vm10, v60  }
0x95: {  	v2 =	vsel vm5, v16, v1;
	[tilespmem:v3+s5+$0x0] =	vst.idx.msk vm4, v61  }
0x96: {  	v3 =	vsel vm2, v17, v1;
	[tilespmem:v7+s5+$0x0] =	vst.idx.msk vm0, v2  }
0x97: {  	[tilespmem:v9+s5+$0x0] =	vst.idx.msk vm11, v3;
	v3 =	vsel vm6, v14, v1  }
0x98: {  	v2 =	vsel vm1, v8, v1;
	[tilespmem:v10+s5+$0x0] =	vst.idx.msk vm7, v3  }
0x99: {  	[tilespmem:v11+s5+$0x0] =	vst.idx.msk vm15, v2  }
0x9a: {  	v3 =	vld [tilespmem:$0xFF0]  }
0x9b: {  	v2 =	vld [tilespmem:$0xFF1];
	_ =	sdelay $0x4  }
0x9c: {  	vm11 =	vcmask $0x3F3C;
	vm10 =	vne.s32 v3, v2  }
0x9d: {  	vm0 =	vmor vm10, vm11;
	_ =	sdelay $0x1  }
0x9e: {  	v2 =	vlaneseq.u32  }
0x9f: {  	v62 =	vadd.s32 $0xFF1, v2  }
0xa0: {  	vm12 =	vlt.s32 v1, v62  }
0xa1: {  	v0 =	vxor.u32 $0x80000000, v0;
	s30 =	simm.s32 $0x1080;
	v1 =	vsel vm12, v1, v62  }
0xa2: {  	(xrf0) =	vmax.scan.msk.u32 $0xffff, v0;
	[tilespmem:v3+s30+$0x0] =	vst.idx.msk vm0, v1  }
0xa3: {  	v0 =	vld [tilespmem:s30+$0x0];
	_ =	sdelay $0x4  }
0xa4: {  	v1, _, _ =	vpop (xrf0);
	v3 =	vxor.u32 $0x80000000, v0  }
0xa5: {  	(v2sf) =	vpush v1, $0xF;
	(xrf0) =	vmax.scan.msk.u32 $0xffff, v3;
	_ =	sdelay $0x4  }
0xa6: {  	s31 =	simm.s32 $0xF  }
0xa7: {  	v1 =	vadd.s32 s31, v2;
	v3, _, _ =	vpop (xrf0)  }
0xa8: {  	v63 =	vimm.s32 $0x0;
	v3 =	vxor.u32 $0x80000000, v3  }
0xa9: {  	vm13 =	vgt.s32 v3, v63  }
0xaa: {  	s6 =	simm.s32 $0x1290;
	v3 =	vsel vm13, v3, v63  }
0xab: {  	s5 =	simm.s32 $0x1280;
	[tilespmem:s6+$0x0] =	vst v3  }
0xac: {  	v1 =	vld.idx.msk [tilespmem:v1+s5+$0x0], $0xffff;
	_ =	sdelay $0x3  }
0xad: {  	s7 =	spop (v2sf)  }
0xae: {  	s8 =	simm.s32 $0x0;
	s7 =	sxor.u32 $0x80000000, s7;
	v1 =	vsub.s32 v0, v1  }
0xaf: {  	v3 =	vor.u32 s8, v2;
	v0 =	vmov s7;
	vm14 =	vgt.s32 v1, $0x0  }
0xb0: {  	s10 =	simm.s32 $0x1F;
	vm15 =	vlt.s32 v3, v0;
	v1 =	vnsel vm14, $0x0, v1  }
0xb1: {  	v3 =	vnsel vm15, $0x0, v1;
	v1 =	vmov s10;
	_ =	sdelay $0x1  }
0xb2: {  	s7 =	simm.s32 $0x1500  }
0xb3: {  	s9 =	simm.s32 $0x20;
	s8 =	simm.s32 $0x10;
	s10 =	simm.s32 $0x1090;
	[tilespmem:s7+$0x0] =	vst v3  }
.LBB2_7:
0xb4: {  	p0 =	sne.s32 s9, $0x1F0;
	v3 =	vld [tilespmem:s10+$0x0];
	s6 =	sadd.s32 $0x10, s6;
	s7 =	sadd.s32 $0x10, s7  }
0xb5: {  	s11 =	smov.u32 s9;
	s9 =	sadd.s32 $0x10, s9;
	v1 =	vld.idx.msk [tilespmem:v1+s5+$0x0], $0xffff;
	_ =	sdelay $0x3  }
0xb6: {  	v4 =	vxor.u32 $0x80000000, v3  }
0xb7: {  	(xrf0) =	vmax.scan.msk.u32 $0xffff, v4;
	_ =	sdelay $0x4  }
0xb8: {  	s12 =	sadd.s32 $0xF, s8  }
0xb9: {  	v4 =	vadd.s32 s12, v2;
	v5, _, _ =	vpop (xrf0)  }
0xba: {  	v5 =	vxor.u32 $0x80000000, v5  }
0xbb: {  	vm0 =	vgt.s32 v5, v1  }
0xbc: {  	v1 =	vsel vm0, v5, v1  }
0xbd: {  	[tilespmem:s6+$0x0] =	vst v1  }
0xbe: {  	v1 =	vld.idx.msk [tilespmem:v4+s5+$0x0], $0xffff;
	_ =	sdelay $0x4  }
0xbf: {  	s12 =	sadd.s32 $0x1F, s8  }
.Ltmp3:
0xc0: {  	v3 =	vsub.s32 v3, v1;
	v1 =	vmov s12;
	(pc) =	sbr.rel @p0 .LBB2_7-.Ltmp3, $4  }
0xc1: {  	v4 =	vor.u32 s8, v2;
	s8 =	smov.u32 s11;
	vm0 =	vgt.s32 v3, $0x0  }
0xc2: {  	v3 =	vnsel vm0, $0x0, v3;
	vm0 =	vlt.s32 v4, v0  }
0xc3: {  	v3 =	vnsel vm0, $0x0, v3  }
0xc4: {  	s10 =	sadd.s32 $0x10, s10;
	[tilespmem:s7+$0x0] =	vst v3  }
0xc5: {  	v3 =	vld [tilespmem:s10+$0x0];
	_ =	sdelay $0x4  }
0xc6: {  	v4 =	vxor.u32 $0x80000000, v3  }
0xc7: {  	(xrf0) =	vmax.scan.msk.u32 $0xffff, v4;
	_ =	sdelay $0x2  }
0xc8: {  	v1 =	vld.idx.msk [tilespmem:v1+s5+$0x0], $0xffff;
	_ =	sdelay $0x1  }
0xc9: {  	s9 =	sadd.s32 $0xF, s8  }
0xca: {  	v62 =	vadd.s32 s9, v2;
	v5, _, _ =	vpop (xrf0)  }
0xcb: {  	v5 =	vxor.u32 $0x80000000, v5  }
0xcc: {  	vm0 =	vgt.s32 v5, v1  }
0xcd: {  	s6 =	sadd.s32 $0x10, s6;
	v1 =	vsel vm0, v5, v1  }
0xce: {  	[tilespmem:s6+$0x0] =	vst v1  }
0xcf: {  	v1 =	vld.idx.msk [tilespmem:v62+s5+$0x0], $0xffff;
	_ =	sdelay $0x4  }
0xd0: {  	v1 =	vsub.s32 v3, v1  }
0xd1: {  	s3 =	sshll.u32 s3, $0xC;
	v63 =	vor.u32 s8, v2;
	vm14 =	vgt.s32 v1, $0x0  }
0xd2: {  	s26 =	sadd.s32 $0x10, s7;
	s3 =	sor.u32 s4, s3;
	vm15 =	vlt.s32 v63, v0;
	v1 =	vnsel vm14, $0x0, v1  }
0xd3: {  	s28 =	simm.s32 $0x80;
	s29 =	simm.s32 $0x400;
	s3 =	sshrl.u32 s3, $0x3;
	v0 =	vnsel vm15, $0x0, v1  }
0xd4: {  	s30 =	simm.s32 $0x1500;
	s31 =	simm.s32 $0x3;
	s2 =	sadd.s32 s2, s3;
	[tilespmem:s26+$0x0] =	vst v0  }
0xd5: {  	[hbm4b:s2+s28] =	stream.strided.scatter [tilespmem:s30], [sflag:$0x3], $0x200, s29, s28, $0x38;
	[tilespmem:$0x1800] =	vst v63  }
0xd6: {  	_ =	swait.ge [sflag:s31], $0x200  }
0xd7: {  	[sflag:s31] =	ssyncset.done $0x0  }
0xd8: {  	[sflag:s31] =	ssyncadd.s32 $0xFFFFFE00  }
0xd9: {  	_ =	sfence.sel $0x180000  }
0xda: {  	[bflag:$0x0] =	sbarrier.arrive $0xFFFF  }
0xdb: {  	p0 =	sne.s32 s1, $0x0;
	_ =	strace $0x90000047  }
0xdc: {  	s0 =	sadd.s32 @!p0 $0x100000, s0;
	[bflag:$0x2] =	sbarrier.arrive $0xFFFF  }
0xdd: {  	[sflag:s0] =	ssyncadd.tile.s32 @!p0 $0x1;
	_ =	shalt  }
.Lfunc_end2:
_tile_overlayer_lowered:
.L_overlay_start_2:
0xde: {  	(tag) =	ssettag $0x2  }
0xdf: {  	s0 =	rddreg [dreg:$0x0];
	s2 =	stileid.u32  }
0xe0: {  	s1 =	rddreg [dreg:$0x1];
	p0 =	sne.s32 s2, $0x0  }
0xe1: {  	s3 =	rddreg [dreg:$0x2];
	[bflag:$0x3] =	sbarrier.arrive $0xFFFF;
	s2 =	simm.s32 @!p0 $0x1C03  }
0xe2: {  	[timem:s3], [sflag:s2] =	dma.local @!p0 [hbm:s0], s1  }
0xe3: {  	s0 =	simm.s32 @!p0 $0x3  }
0xe4: {  	_ =	swait.ge @!p0 [sflag:s0], s1  }
0xe5: {  	s1 =	ssub.s32 @!p0 $0x0, s1;
	[sflag:s0] =	ssyncset.done @!p0 $0x0  }
0xe6: {  	[sflag:s0] =	ssyncadd.s32 @!p0 s1  }
0xe7: {  	[bflag:$0x3] =	sbarrier.arrive $0xFFFF  }
0xe8: {  	_ =	shalt  }

</sc_bundles>
